<compile_context>
chip_gen: v7x
topology: tpu7x:2x2x1
jax: 0.10.2.dev20260603
libtpu: 0.0.44.dev20260713+nightly
codegen_flags: <defaults>
</compile_context>

<pallas_src>
import functools

import jax
import jax.numpy as jnp
from jax import lax
from jax.experimental import pallas as pl
from jax.experimental.pallas import tpu as pltpu
from jax.experimental.pallas import tpu_sc as plsc

NUM_ENVS = 16384
NUM_JOINTS = 29
NUM_CORES = 2
NUM_SUBCORES = 16
NUM_WORKERS = NUM_CORES * NUM_SUBCORES
ROWS_PER_WORKER = NUM_ENVS // NUM_WORKERS


def _sc_body(inp_hbm, mem_hbm, def_hbm, out_hbm, mem_v, def_v):
    wid = lax.axis_index("s") * NUM_CORES + lax.axis_index("c")
    base = wid * ROWS_PER_WORKER

    pltpu.sync_copy(mem_hbm.at[pl.ds(base, ROWS_PER_WORKER)], mem_v)
    pltpu.sync_copy(def_hbm.at[pl.ds(base, ROWS_PER_WORKER)], def_v)

    @pl.when(wid == 0)
    def _():
        pltpu.sync_copy(inp_hbm, mem_v.at[0])

    def row(r, carry):
        a = mem_v[r, pl.ds(0, 16)] - def_v[r, pl.ds(0, 16)]
        mem_v[r, pl.ds(0, 16)] = a
        b = mem_v[r, pl.ds(13, 16)] - def_v[r, pl.ds(13, 16)]
        mem_v[r, pl.ds(13, 16)] = b
        return carry

    lax.fori_loop(0, ROWS_PER_WORKER, row, 0, unroll=4)

    pltpu.sync_copy(mem_v, out_hbm.at[pl.ds(base, ROWS_PER_WORKER)])


@jax.jit
def _sc_kernel(joint_pos_input, joint_pos, default_joint_pos):
    mesh = plsc.VectorSubcoreMesh(
        core_axis_name="c", subcore_axis_name="s",
        num_cores=NUM_CORES, num_subcores=NUM_SUBCORES)
    return pl.kernel(
        _sc_body,
        out_type=jax.ShapeDtypeStruct((NUM_ENVS, NUM_JOINTS), jnp.float32),
        mesh=mesh,
        scratch_types=[
            pltpu.VMEM((ROWS_PER_WORKER, NUM_JOINTS), jnp.float32),
            pltpu.VMEM((ROWS_PER_WORKER, NUM_JOINTS), jnp.float32),
        ],
    )(joint_pos_input, joint_pos, default_joint_pos)


def kernel(joint_pos_input, joint_pos, default_joint_pos):
    return _sc_kernel(joint_pos_input, joint_pos, default_joint_pos)

# --- scband reference (transcript-rebuilt; emitter-appended) ---
"""Pipeline reference for scband-mock-model-61426622268096 (READ-ONLY COPY).

The authoritative reference and input builder live on the scoring server;
editing this copy changes nothing except your own understanding.
"""

import jax, jax.numpy as jnp
import numpy as np

NUM_ENVS = 16384
NUM_JOINTS = 29
ENV_ID = 0  # case.env_id(num_envs) with the default lambda returns 0


def setup_inputs(seed: int = 0) -> dict:
    key = jax.random.key(seed)
    k1, = jax.random.split(key, 1)
    joint_pos_input = jax.random.normal(k1, (NUM_JOINTS,), dtype=jnp.float32)
    # persistent buffers created in __init__ (torch.zeros)
    joint_pos = jnp.zeros((NUM_ENVS, NUM_JOINTS), dtype=jnp.float32)
    default_joint_pos = jnp.zeros((NUM_ENVS, NUM_JOINTS), dtype=jnp.float32)
    return {
        "joint_pos_input": joint_pos_input,
        "joint_pos": joint_pos,
        "default_joint_pos": default_joint_pos,
    }


def reference(joint_pos_input, joint_pos, default_joint_pos):
    # direct_allocation is False -> scatter-overwrite one env row
    mem = joint_pos.at[ENV_ID].set(joint_pos_input)
    joint_pos_rel = mem - default_joint_pos
    return joint_pos_rel

if __name__ == "__main__":
    import jax
    _d = setup_inputs()
    print(jax.jit(kernel)(*tuple(_d.values())))

</pallas_src>

<mosaic_0001>
#map = affine_map<(d0, d1) -> (0)>
#map1 = affine_map<(d0, d1) -> (0, 0)>
module attributes {stable_mosaic.version = 14 : i64} {
  func.func @_sc_body(%arg0: i32, %arg1: i32, %arg2: memref<29xf32, #tpu.memory_space<hbm>>, %arg3: memref<16384x29xf32, #tpu.memory_space<hbm>>, %arg4: memref<16384x29xf32, #tpu.memory_space<hbm>>, %arg5: memref<16384x29xf32, #tpu.memory_space<hbm>>, %arg6: memref<512x29xf32, #tpu.memory_space<vmem>>, %arg7: memref<512x29xf32, #tpu.memory_space<vmem>>) attributes {dimension_semantics = [#tpu.dimension_semantics<core_parallel>, #tpu.dimension_semantics<subcore_parallel>], iteration_bounds = array<i64: 2, 16>, scalar_prefetch = 0 : i64, scratch_operands = 2 : i64, tpu.core_type = #tpu.core_type<sc_vector_subcore>, window_params = [{transform_indices = #map}, {transform_indices = #map1}, {transform_indices = #map1}, {transform_indices = #map1}]} {
    %mul3A = arith.constant 2 : i32
    %mul3A_0 = arith.muli %arg1, %mul3A : i32
    %add3A = arith.addi %mul3A_0, %arg0 : i32
    %mul3A_1 = arith.constant 512 : i32
    %mul3A_2 = arith.muli %add3A, %mul3A_1 : i32
    "tpu.region"() ({
      %run_scoped3A = tpu.sem_alloc : memref<!tpu.dma_semaphore, #tpu.memory_space<semaphore_mem>>
      %dma_start3A = arith.constant 0 : i32
      %dma_start3A_10 = tpu.memref_slice %arg3[%mul3A_2, %dma_start3A] : memref<16384x29xf32, #tpu.memory_space<hbm>> -> memref<512x29xf32, #tpu.memory_space<hbm>>
      %dma_start3A_11 = arith.constant 0 : i32
      %dma_start3A_12 = tpu.memref_slice %arg3[%mul3A_2, %dma_start3A_11] : memref<16384x29xf32, #tpu.memory_space<hbm>> -> memref<512x29xf32, #tpu.memory_space<hbm>>
      tpu.enqueue_dma source(%dma_start3A_12 : memref<512x29xf32, #tpu.memory_space<hbm>>) target(%arg6 : memref<512x29xf32, #tpu.memory_space<vmem>>) target_semaphore(%run_scoped3A : memref<!tpu.dma_semaphore, #tpu.memory_space<semaphore_mem>>)
      %dma_wait3A = arith.constant 0 : i32
      %dma_wait3A_13 = tpu.memref_slice %arg3[%mul3A_2, %dma_wait3A] : memref<16384x29xf32, #tpu.memory_space<hbm>> -> memref<512x29xf32, #tpu.memory_space<hbm>>
      %dma_wait3A_14 = arith.constant 0 : i32
      %dma_wait3A_15 = tpu.memref_slice %arg3[%mul3A_2, %dma_wait3A_14] : memref<16384x29xf32, #tpu.memory_space<hbm>> -> memref<512x29xf32, #tpu.memory_space<hbm>>
      tpu.wait_dma2 semaphore(%run_scoped3A : memref<!tpu.dma_semaphore, #tpu.memory_space<semaphore_mem>>) src(%dma_wait3A_15 : memref<512x29xf32, #tpu.memory_space<hbm>>) dst(%arg6 : memref<512x29xf32, #tpu.memory_space<vmem>>)
      tpu.yield
    }) : () -> ()
    "tpu.region"() ({
      %run_scoped3A = tpu.sem_alloc : memref<!tpu.dma_semaphore, #tpu.memory_space<semaphore_mem>>
      %dma_start3A = arith.constant 0 : i32
      %dma_start3A_10 = tpu.memref_slice %arg4[%mul3A_2, %dma_start3A] : memref<16384x29xf32, #tpu.memory_space<hbm>> -> memref<512x29xf32, #tpu.memory_space<hbm>>
      %dma_start3A_11 = arith.constant 0 : i32
      %dma_start3A_12 = tpu.memref_slice %arg4[%mul3A_2, %dma_start3A_11] : memref<16384x29xf32, #tpu.memory_space<hbm>> -> memref<512x29xf32, #tpu.memory_space<hbm>>
      tpu.enqueue_dma source(%dma_start3A_12 : memref<512x29xf32, #tpu.memory_space<hbm>>) target(%arg7 : memref<512x29xf32, #tpu.memory_space<vmem>>) target_semaphore(%run_scoped3A : memref<!tpu.dma_semaphore, #tpu.memory_space<semaphore_mem>>)
      %dma_wait3A = arith.constant 0 : i32
      %dma_wait3A_13 = tpu.memref_slice %arg4[%mul3A_2, %dma_wait3A] : memref<16384x29xf32, #tpu.memory_space<hbm>> -> memref<512x29xf32, #tpu.memory_space<hbm>>
      %dma_wait3A_14 = arith.constant 0 : i32
      %dma_wait3A_15 = tpu.memref_slice %arg4[%mul3A_2, %dma_wait3A_14] : memref<16384x29xf32, #tpu.memory_space<hbm>> -> memref<512x29xf32, #tpu.memory_space<hbm>>
      tpu.wait_dma2 semaphore(%run_scoped3A : memref<!tpu.dma_semaphore, #tpu.memory_space<semaphore_mem>>) src(%dma_wait3A_15 : memref<512x29xf32, #tpu.memory_space<hbm>>) dst(%arg7 : memref<512x29xf32, #tpu.memory_space<vmem>>)
      tpu.yield
    }) : () -> ()
    %eq3A = arith.constant 0 : i32
    %eq3A_3 = arith.cmpi eq, %add3A, %eq3A : i32
    %convert_element_type3A = arith.extui %eq3A_3 : i1 to i32
    %cond3A = arith.constant 0 : i32
    %cond3A_4 = arith.cmpi ne, %convert_element_type3A, %cond3A : i32
    scf.if %cond3A_4 {
      %run_scoped3A = arith.constant 0 : i32
      "tpu.region"() ({
        %run_scoped3A_10 = tpu.sem_alloc : memref<!tpu.dma_semaphore, #tpu.memory_space<semaphore_mem>>
        %dma_start3A = arith.constant 0 : i32
        %dma_start3A_11 = tpu.memref_slice %arg6[%run_scoped3A, %dma_start3A] : memref<512x29xf32, #tpu.memory_space<vmem>> -> memref<1x29xf32, #tpu.memory_space<vmem>>
        %dma_start3A_12 = tpu.memref_squeeze %dma_start3A_11 : memref<1x29xf32, #tpu.memory_space<vmem>> -> memref<29xf32, #tpu.memory_space<vmem>>
        %dma_start3A_13 = arith.constant 0 : i32
        %dma_start3A_14 = tpu.memref_slice %arg6[%run_scoped3A, %dma_start3A_13] : memref<512x29xf32, #tpu.memory_space<vmem>> -> memref<1x29xf32, #tpu.memory_space<vmem>>
        %dma_start3A_15 = tpu.memref_squeeze %dma_start3A_14 : memref<1x29xf32, #tpu.memory_space<vmem>> -> memref<29xf32, #tpu.memory_space<vmem>>
        tpu.enqueue_dma source(%arg2 : memref<29xf32, #tpu.memory_space<hbm>>) target(%dma_start3A_15 : memref<29xf32, #tpu.memory_space<vmem>>) target_semaphore(%run_scoped3A_10 : memref<!tpu.dma_semaphore, #tpu.memory_space<semaphore_mem>>)
        %dma_wait3A = arith.constant 0 : i32
        %dma_wait3A_16 = tpu.memref_slice %arg6[%run_scoped3A, %dma_wait3A] : memref<512x29xf32, #tpu.memory_space<vmem>> -> memref<1x29xf32, #tpu.memory_space<vmem>>
        %dma_wait3A_17 = tpu.memref_squeeze %dma_wait3A_16 : memref<1x29xf32, #tpu.memory_space<vmem>> -> memref<29xf32, #tpu.memory_space<vmem>>
        %dma_wait3A_18 = arith.constant 0 : i32
        %dma_wait3A_19 = tpu.memref_slice %arg6[%run_scoped3A, %dma_wait3A_18] : memref<512x29xf32, #tpu.memory_space<vmem>> -> memref<1x29xf32, #tpu.memory_space<vmem>>
        %dma_wait3A_20 = tpu.memref_squeeze %dma_wait3A_19 : memref<1x29xf32, #tpu.memory_space<vmem>> -> memref<29xf32, #tpu.memory_space<vmem>>
        tpu.wait_dma2 semaphore(%run_scoped3A_10 : memref<!tpu.dma_semaphore, #tpu.memory_space<semaphore_mem>>) src(%arg2 : memref<29xf32, #tpu.memory_space<hbm>>) dst(%dma_wait3A_20 : memref<29xf32, #tpu.memory_space<vmem>>)
        tpu.yield
      }) : () -> ()
    } else {
    }
    %scan3A = arith.constant 0 : i32
    %scan3A_5 = arith.constant 0 : i32
    %scan3A_6 = arith.constant 512 : i32
    %scan3A_7 = arith.addi %scan3A_5, %scan3A_6 : i32
    %scan3A_8 = arith.constant 4 : i32
    scf.for %scan3A_10 = %scan3A_5 to %scan3A_7 step %scan3A_8  : i32 {
      %get3A = arith.index_cast %scan3A_10 : i32 to index
      %get3A_11 = arith.constant 0 : index
      %get3A_12 = tpu.vector_load %arg6[%get3A, %get3A_11] {strides = array<i32>} : memref<512x29xf32, #tpu.memory_space<vmem>>, vector<1x16xf32>,
      %get3A_13 = vector.shape_cast %get3A_12 : vector<1x16xf32> to vector<16xf32>
      %get3A_14 = arith.index_cast %scan3A_10 : i32 to index
      %get3A_15 = arith.constant 0 : index
      %get3A_16 = tpu.vector_load %arg7[%get3A_14, %get3A_15] {strides = array<i32>} : memref<512x29xf32, #tpu.memory_space<vmem>>, vector<1x16xf32>,
      %get3A_17 = vector.shape_cast %get3A_16 : vector<1x16xf32> to vector<16xf32>
      %sub3A = arith.subf %get3A_13, %get3A_17 : vector<16xf32>
      %swap3A = arith.index_cast %scan3A_10 : i32 to index
      %swap3A_18 = arith.constant 0 : index
      %swap3A_19 = tpu.vector_load %arg6[%swap3A, %swap3A_18] {strides = array<i32>} : memref<512x29xf32, #tpu.memory_space<vmem>>, vector<1x16xf32>,
      %swap3A_20 = vector.shape_cast %swap3A_19 : vector<1x16xf32> to vector<16xf32>
      %swap3A_21 = vector.shape_cast %sub3A : vector<16xf32> to vector<1x16xf32>
      tpu.vector_store %arg6[%swap3A, %swap3A_18], %swap3A_21 {strides = array<i32>} : memref<512x29xf32, #tpu.memory_space<vmem>>, vector<1x16xf32>,
      %get3A_22 = arith.index_cast %scan3A_10 : i32 to index
      %get3A_23 = arith.constant 13 : index
      %get3A_24 = tpu.vector_load %arg6[%get3A_22, %get3A_23] {strides = array<i32>} : memref<512x29xf32, #tpu.memory_space<vmem>>, vector<1x16xf32>,
      %get3A_25 = vector.shape_cast %get3A_24 : vector<1x16xf32> to vector<16xf32>
      %get3A_26 = arith.index_cast %scan3A_10 : i32 to index
      %get3A_27 = arith.constant 13 : index
      %get3A_28 = tpu.vector_load %arg7[%get3A_26, %get3A_27] {strides = array<i32>} : memref<512x29xf32, #tpu.memory_space<vmem>>, vector<1x16xf32>,
      %get3A_29 = vector.shape_cast %get3A_28 : vector<1x16xf32> to vector<16xf32>
      %sub3A_30 = arith.subf %get3A_25, %get3A_29 : vector<16xf32>
      %swap3A_31 = arith.index_cast %scan3A_10 : i32 to index
      %swap3A_32 = arith.constant 13 : index
      %swap3A_33 = tpu.vector_load %arg6[%swap3A_31, %swap3A_32] {strides = array<i32>} : memref<512x29xf32, #tpu.memory_space<vmem>>, vector<1x16xf32>,
      %swap3A_34 = vector.shape_cast %swap3A_33 : vector<1x16xf32> to vector<16xf32>
      %swap3A_35 = vector.shape_cast %sub3A_30 : vector<16xf32> to vector<1x16xf32>
      tpu.vector_store %arg6[%swap3A_31, %swap3A_32], %swap3A_35 {strides = array<i32>} : memref<512x29xf32, #tpu.memory_space<vmem>>, vector<1x16xf32>,
      %scan3A_36 = arith.constant 1 : i32
      %scan3A_37 = arith.addi %scan3A_10, %scan3A_36 : i32
      %get3A_38 = arith.index_cast %scan3A_37 : i32 to index
      %get3A_39 = arith.constant 0 : index
      %get3A_40 = tpu.vector_load %arg6[%get3A_38, %get3A_39] {strides = array<i32>} : memref<512x29xf32, #tpu.memory_space<vmem>>, vector<1x16xf32>,
      %get3A_41 = vector.shape_cast %get3A_40 : vector<1x16xf32> to vector<16xf32>
      %get3A_42 = arith.index_cast %scan3A_37 : i32 to index
      %get3A_43 = arith.constant 0 : index
      %get3A_44 = tpu.vector_load %arg7[%get3A_42, %get3A_43] {strides = array<i32>} : memref<512x29xf32, #tpu.memory_space<vmem>>, vector<1x16xf32>,
      %get3A_45 = vector.shape_cast %get3A_44 : vector<1x16xf32> to vector<16xf32>
      %sub3A_46 = arith.subf %get3A_41, %get3A_45 : vector<16xf32>
      %swap3A_47 = arith.index_cast %scan3A_37 : i32 to index
      %swap3A_48 = arith.constant 0 : index
      %swap3A_49 = tpu.vector_load %arg6[%swap3A_47, %swap3A_48] {strides = array<i32>} : memref<512x29xf32, #tpu.memory_space<vmem>>, vector<1x16xf32>,
      %swap3A_50 = vector.shape_cast %swap3A_49 : vector<1x16xf32> to vector<16xf32>
      %swap3A_51 = vector.shape_cast %sub3A_46 : vector<16xf32> to vector<1x16xf32>
      tpu.vector_store %arg6[%swap3A_47, %swap3A_48], %swap3A_51 {strides = array<i32>} : memref<512x29xf32, #tpu.memory_space<vmem>>, vector<1x16xf32>,
      %get3A_52 = arith.index_cast %scan3A_37 : i32 to index
      %get3A_53 = arith.constant 13 : index
      %get3A_54 = tpu.vector_load %arg6[%get3A_52, %get3A_53] {strides = array<i32>} : memref<512x29xf32, #tpu.memory_space<vmem>>, vector<1x16xf32>,
      %get3A_55 = vector.shape_cast %get3A_54 : vector<1x16xf32> to vector<16xf32>
      %get3A_56 = arith.index_cast %scan3A_37 : i32 to index
      %get3A_57 = arith.constant 13 : index
      %get3A_58 = tpu.vector_load %arg7[%get3A_56, %get3A_57] {strides = array<i32>} : memref<512x29xf32, #tpu.memory_space<vmem>>, vector<1x16xf32>,
      %get3A_59 = vector.shape_cast %get3A_58 : vector<1x16xf32> to vector<16xf32>
      %sub3A_60 = arith.subf %get3A_55, %get3A_59 : vector<16xf32>
      %swap3A_61 = arith.index_cast %scan3A_37 : i32 to index
      %swap3A_62 = arith.constant 13 : index
      %swap3A_63 = tpu.vector_load %arg6[%swap3A_61, %swap3A_62] {strides = array<i32>} : memref<512x29xf32, #tpu.memory_space<vmem>>, vector<1x16xf32>,
      %swap3A_64 = vector.shape_cast %swap3A_63 : vector<1x16xf32> to vector<16xf32>
      %swap3A_65 = vector.shape_cast %sub3A_60 : vector<16xf32> to vector<1x16xf32>
      tpu.vector_store %arg6[%swap3A_61, %swap3A_62], %swap3A_65 {strides = array<i32>} : memref<512x29xf32, #tpu.memory_space<vmem>>, vector<1x16xf32>,
      %scan3A_66 = arith.constant 2 : i32
      %scan3A_67 = arith.addi %scan3A_10, %scan3A_66 : i32
      %get3A_68 = arith.index_cast %scan3A_67 : i32 to index
      %get3A_69 = arith.constant 0 : index
      %get3A_70 = tpu.vector_load %arg6[%get3A_68, %get3A_69] {strides = array<i32>} : memref<512x29xf32, #tpu.memory_space<vmem>>, vector<1x16xf32>,
      %get3A_71 = vector.shape_cast %get3A_70 : vector<1x16xf32> to vector<16xf32>
      %get3A_72 = arith.index_cast %scan3A_67 : i32 to index
      %get3A_73 = arith.constant 0 : index
      %get3A_74 = tpu.vector_load %arg7[%get3A_72, %get3A_73] {strides = array<i32>} : memref<512x29xf32, #tpu.memory_space<vmem>>, vector<1x16xf32>,
      %get3A_75 = vector.shape_cast %get3A_74 : vector<1x16xf32> to vector<16xf32>
      %sub3A_76 = arith.subf %get3A_71, %get3A_75 : vector<16xf32>
      %swap3A_77 = arith.index_cast %scan3A_67 : i32 to index
      %swap3A_78 = arith.constant 0 : index
      %swap3A_79 = tpu.vector_load %arg6[%swap3A_77, %swap3A_78] {strides = array<i32>} : memref<512x29xf32, #tpu.memory_space<vmem>>, vector<1x16xf32>,
      %swap3A_80 = vector.shape_cast %swap3A_79 : vector<1x16xf32> to vector<16xf32>
      %swap3A_81 = vector.shape_cast %sub3A_76 : vector<16xf32> to vector<1x16xf32>
      tpu.vector_store %arg6[%swap3A_77, %swap3A_78], %swap3A_81 {strides = array<i32>} : memref<512x29xf32, #tpu.memory_space<vmem>>, vector<1x16xf32>,
      %get3A_82 = arith.index_cast %scan3A_67 : i32 to index
      %get3A_83 = arith.constant 13 : index
      %get3A_84 = tpu.vector_load %arg6[%get3A_82, %get3A_83] {strides = array<i32>} : memref<512x29xf32, #tpu.memory_space<vmem>>, vector<1x16xf32>,
      %get3A_85 = vector.shape_cast %get3A_84 : vector<1x16xf32> to vector<16xf32>
      %get3A_86 = arith.index_cast %scan3A_67 : i32 to index
      %get3A_87 = arith.constant 13 : index
      %get3A_88 = tpu.vector_load %arg7[%get3A_86, %get3A_87] {strides = array<i32>} : memref<512x29xf32, #tpu.memory_space<vmem>>, vector<1x16xf32>,
      %get3A_89 = vector.shape_cast %get3A_88 : vector<1x16xf32> to vector<16xf32>
      %sub3A_90 = arith.subf %get3A_85, %get3A_89 : vector<16xf32>
      %swap3A_91 = arith.index_cast %scan3A_67 : i32 to index
      %swap3A_92 = arith.constant 13 : index
      %swap3A_93 = tpu.vector_load %arg6[%swap3A_91, %swap3A_92] {strides = array<i32>} : memref<512x29xf32, #tpu.memory_space<vmem>>, vector<1x16xf32>,
      %swap3A_94 = vector.shape_cast %swap3A_93 : vector<1x16xf32> to vector<16xf32>
      %swap3A_95 = vector.shape_cast %sub3A_90 : vector<16xf32> to vector<1x16xf32>
      tpu.vector_store %arg6[%swap3A_91, %swap3A_92], %swap3A_95 {strides = array<i32>} : memref<512x29xf32, #tpu.memory_space<vmem>>, vector<1x16xf32>,
      %scan3A_96 = arith.constant 3 : i32
      %scan3A_97 = arith.addi %scan3A_10, %scan3A_96 : i32
      %get3A_98 = arith.index_cast %scan3A_97 : i32 to index
      %get3A_99 = arith.constant 0 : index
      %get3A_100 = tpu.vector_load %arg6[%get3A_98, %get3A_99] {strides = array<i32>} : memref<512x29xf32, #tpu.memory_space<vmem>>, vector<1x16xf32>,
      %get3A_101 = vector.shape_cast %get3A_100 : vector<1x16xf32> to vector<16xf32>
      %get3A_102 = arith.index_cast %scan3A_97 : i32 to index
      %get3A_103 = arith.constant 0 : index
      %get3A_104 = tpu.vector_load %arg7[%get3A_102, %get3A_103] {strides = array<i32>} : memref<512x29xf32, #tpu.memory_space<vmem>>, vector<1x16xf32>,
      %get3A_105 = vector.shape_cast %get3A_104 : vector<1x16xf32> to vector<16xf32>
      %sub3A_106 = arith.subf %get3A_101, %get3A_105 : vector<16xf32>
      %swap3A_107 = arith.index_cast %scan3A_97 : i32 to index
      %swap3A_108 = arith.constant 0 : index
      %swap3A_109 = tpu.vector_load %arg6[%swap3A_107, %swap3A_108] {strides = array<i32>} : memref<512x29xf32, #tpu.memory_space<vmem>>, vector<1x16xf32>,
      %swap3A_110 = vector.shape_cast %swap3A_109 : vector<1x16xf32> to vector<16xf32>
      %swap3A_111 = vector.shape_cast %sub3A_106 : vector<16xf32> to vector<1x16xf32>
      tpu.vector_store %arg6[%swap3A_107, %swap3A_108], %swap3A_111 {strides = array<i32>} : memref<512x29xf32, #tpu.memory_space<vmem>>, vector<1x16xf32>,
      %get3A_112 = arith.index_cast %scan3A_97 : i32 to index
      %get3A_113 = arith.constant 13 : index
      %get3A_114 = tpu.vector_load %arg6[%get3A_112, %get3A_113] {strides = array<i32>} : memref<512x29xf32, #tpu.memory_space<vmem>>, vector<1x16xf32>,
      %get3A_115 = vector.shape_cast %get3A_114 : vector<1x16xf32> to vector<16xf32>
      %get3A_116 = arith.index_cast %scan3A_97 : i32 to index
      %get3A_117 = arith.constant 13 : index
      %get3A_118 = tpu.vector_load %arg7[%get3A_116, %get3A_117] {strides = array<i32>} : memref<512x29xf32, #tpu.memory_space<vmem>>, vector<1x16xf32>,
      %get3A_119 = vector.shape_cast %get3A_118 : vector<1x16xf32> to vector<16xf32>
      %sub3A_120 = arith.subf %get3A_115, %get3A_119 : vector<16xf32>
      %swap3A_121 = arith.index_cast %scan3A_97 : i32 to index
      %swap3A_122 = arith.constant 13 : index
      %swap3A_123 = tpu.vector_load %arg6[%swap3A_121, %swap3A_122] {strides = array<i32>} : memref<512x29xf32, #tpu.memory_space<vmem>>, vector<1x16xf32>,
      %swap3A_124 = vector.shape_cast %swap3A_123 : vector<1x16xf32> to vector<16xf32>
      %swap3A_125 = vector.shape_cast %sub3A_120 : vector<16xf32> to vector<1x16xf32>
      tpu.vector_store %arg6[%swap3A_121, %swap3A_122], %swap3A_125 {strides = array<i32>} : memref<512x29xf32, #tpu.memory_space<vmem>>, vector<1x16xf32>,
    }
    %scan3A_9 = arith.constant 512 : i32
    "tpu.region"() ({
      %run_scoped3A = tpu.sem_alloc : memref<!tpu.dma_semaphore, #tpu.memory_space<semaphore_mem>>
      %dma_start3A = arith.constant 0 : i32
      %dma_start3A_10 = tpu.memref_slice %arg5[%mul3A_2, %dma_start3A] : memref<16384x29xf32, #tpu.memory_space<hbm>> -> memref<512x29xf32, #tpu.memory_space<hbm>>
      %dma_start3A_11 = arith.constant 0 : i32
      %dma_start3A_12 = tpu.memref_slice %arg5[%mul3A_2, %dma_start3A_11] : memref<16384x29xf32, #tpu.memory_space<hbm>> -> memref<512x29xf32, #tpu.memory_space<hbm>>
      tpu.enqueue_dma source(%arg6 : memref<512x29xf32, #tpu.memory_space<vmem>>) target(%dma_start3A_12 : memref<512x29xf32, #tpu.memory_space<hbm>>) target_semaphore(%run_scoped3A : memref<!tpu.dma_semaphore, #tpu.memory_space<semaphore_mem>>)
      %dma_wait3A = arith.constant 0 : i32
      %dma_wait3A_13 = tpu.memref_slice %arg5[%mul3A_2, %dma_wait3A] : memref<16384x29xf32, #tpu.memory_space<hbm>> -> memref<512x29xf32, #tpu.memory_space<hbm>>
      %dma_wait3A_14 = arith.constant 0 : i32
      %dma_wait3A_15 = tpu.memref_slice %arg5[%mul3A_2, %dma_wait3A_14] : memref<16384x29xf32, #tpu.memory_space<hbm>> -> memref<512x29xf32, #tpu.memory_space<hbm>>
      tpu.wait_dma2 semaphore(%run_scoped3A : memref<!tpu.dma_semaphore, #tpu.memory_space<semaphore_mem>>) src(%arg6 : memref<512x29xf32, #tpu.memory_space<vmem>>) dst(%dma_wait3A_15 : memref<512x29xf32, #tpu.memory_space<hbm>>)
      tpu.yield
    }) : () -> ()
    return
  }
}

</mosaic_0001>

<sc_bundles>
// kernel: _sc_kernel.3.cloned.1.call-start
scs
__scs_entry_jumppad:
0x0: {  	(pc) =	sbr.rel $0x88, $3  }
0x1: {  	(tag) =	ssettag $0x0;
	lr =	simm.s32 $0x1  }
0x2: {  	[smem:$0x3F9E] =	sst lr;
	_ =	strace $0xD0000000  }
0x3: {  	_ = 	snop  }
0x4: {  	_ = 	snop  }
0x5: {  	_ = 	snop  }
0x6: {  	_ = 	snop  }
0x7: {  	_ = 	snop  }
__scs_overlays_trampoline_lowered:
0x8: {  	[smem:$0x3FAD] =	sst s0  }
0x9: {  	[smem:$0x3FAE] =	sst s1  }
0xa: {  	[smem:$0x3FAF] =	sst s2  }
0xb: {  	[smem:$0x3FB0] =	sst s3  }
0xc: {  	[smem:$0x3FB1] =	sst s4  }
0xd: {  	[smem:$0x3FB2] =	sst s5  }
0xe: {  	[smem:$0x3FB3] =	sst s6  }
0xf: {  	[smem:$0x3FB4] =	sst s7  }
0x10: {  	[smem:$0x3FB5] =	sst s8  }
0x11: {  	[smem:$0x3FB6] =	sst s9;
	s0 =	simm.s32 @!p0 $0x0  }
0x12: {  	s1 =	sld [smem:$0x3F9C];
	s0 =	simm.s32 @p0 $0x1  }
0x13: {  	[smem:$0x3FB7] =	sst s0;
	s0 =	simm.s32 @!p1 $0x0  }
0x14: {  	s2 =	sld [smem:$0x3F9B];
	s0 =	simm.s32 @p1 $0x1  }
0x15: {  	[smem:$0x3FB8] =	sst s0;
	s0 =	simm.s32 @!p2 $0x0  }
0x16: {  	s3 =	sld [smem:$0x3FDB];
	s0 =	simm.s32 @p2 $0x1  }
0x17: {  	s4 =	simm.s32 $0x1BF5;
	[smem:$0x3FBA] =	sst s0  }
0x18: {  	s0 =	sld [smem:$0x3F9D];
	_ =	swait.ge [sflag:s4], $0x0  }
0x19: {  	s7 =	sld [smem:$0x3F9E]  }
0x1a: {  	s8 =	sadd.s32 $0xFFFFE003, lr  }
0x1b: {  	s9 =	sadd.s32 $0xFFFFFEF7, lr;
	s5 =	simm.s32 $0xFFFFFFFF;
	p2 =	slt.u32 s8, $0xFFFFF086  }
0x1c: {  	p1 =	slt.u32 s9, $0xF7A;
	s5 =	simm.s32 @!p2 $0x0  }
0x1d: {  	s5 =	simm.s32 @p1 $0x1;
	p0 =	seq.s32 s7, s2  }
0x1e: {  	s7 =	smul.u32 @!p0 $0xF7A, s2;
	p2 =	seq.s32 @!p0 s5, $0x0  }
0x1f: {  	s9 =	smul.u32 $0xF7A, s1;
	s8 =	simm.s32 @!p0 $0x1BF5;
	p2 =	por !p2, p0  }
0x20: {  	[sflag:s8] =	ssyncset.s32 @!p0 $0xFFFFF086;
	s6 =	sadd.s32 @!p0 s3, s7;
	s7 =	simm.s32 @!p0 $0x108  }
0x21: {  	s3 =	sadd.s32 s3, s9;
	s6 =	sadd.s32 @!p0 $0x88, s6;
	s7 =	simm.s32 @p2 $0x1082  }
0x22: {  	[simem:s7], [sflag:s8] =	dma.local @!p0 [hbm:s6], $0xF7A  }
0x23: {  	s9 =	sor.u32 $0xD0000000, s2;
	s6 =	simm.s32 $0x108;
	_ =	swait.ge @!p0 [sflag:s8], $0x0  }
0x24: {  	s3 =	sadd.s32 $0x88, s3;
	s6 =	simm.s32 @!p1 $0x1082;
	[sflag:s4] =	ssyncset.s32 $0xFFFFF086  }
0x25: {  	[simem:s6], [sflag:s4] =	dma.local [hbm:s3], $0xF7A  }
0x26: {  	[smem:$0x3F9E] =	sst s1;
	(tag) =	ssettag s2;
	_ =	strace s9  }
0x27: {  	s1 =	sld [smem:$0x3FAE]  }
0x28: {  	s2 =	sld [smem:$0x3FAF]  }
0x29: {  	s4 =	sld [smem:$0x3FB1]  }
0x2a: {  	p0 =	seq.s32 s5, $0x0;
	s5 =	sld [smem:$0x3FB2]  }
0x2b: {  	s6 =	sld [smem:$0x3FB3]  }
0x2c: {  	s7 =	sld [smem:$0x3FB4]  }
0x2d: {  	s3 =	simm.s32 $0x108;
	s8 =	sld [smem:$0x3FB5]  }
0x2e: {  	s3 =	simm.s32 @!p0 $0x1082;
	s9 =	sld [smem:$0x3FB6]  }
0x2f: {  	lr =	sadd.s32 s0, s3;
	s0 =	sld [smem:$0x3FAD]  }
0x30: {  	s3 =	sld [smem:$0x3FB0]  }
0x31: {  	[smem:$0x3FB9] =	sst s10  }
0x32: {  	s10 =	sld [smem:$0x3FB7];
	_ =	sdelay $0x3  }
0x33: {  	p0 =	seq.s32 s10, $0x1;
	s10 =	sld [smem:$0x3FB9];
	_ =	sdelay $0x3  }
0x34: {  	[smem:$0x3FB9] =	sst s10  }
0x35: {  	s10 =	sld [smem:$0x3FB8];
	_ =	sdelay $0x3  }
0x36: {  	p1 =	seq.s32 s10, $0x1;
	s10 =	sld [smem:$0x3FB9];
	_ =	sdelay $0x3  }
0x37: {  	[smem:$0x3FB9] =	sst s10  }
0x38: {  	s10 =	sld [smem:$0x3FBA]  }
0x39: {  	_ = 	snop;
	(pc) =	sbr.ind lr, $3  }
0x3a: {  	_ = 	snop  }
0x3b: {  	_ = 	snop  }
0x3c: {  	p2 =	seq.s32 s10, $0x1;
	s10 =	sld [smem:$0x3FB9]  }
0x3d: {  	_ =	shalt  }
0x3e: {  	_ =	shalt  }
0x3f: {  	_ =	shalt  }
0x40: {  	_ =	shalt  }
0x41: {  	_ =	shalt  }
0x42: {  	_ =	shalt  }
0x43: {  	_ =	shalt  }
0x44: {  	_ =	shalt  }
0x45: {  	_ =	shalt  }
0x46: {  	_ =	shalt  }
0x47: {  	_ =	shalt  }
0x48: {  	_ =	shalt  }
0x49: {  	_ =	shalt  }
0x4a: {  	_ =	shalt  }
0x4b: {  	_ =	shalt  }
0x4c: {  	_ =	shalt  }
0x4d: {  	_ =	shalt  }
0x4e: {  	_ =	shalt  }
0x4f: {  	_ =	shalt  }
0x50: {  	_ =	shalt  }
0x51: {  	_ =	shalt  }
0x52: {  	_ =	shalt  }
0x53: {  	_ =	shalt  }
0x54: {  	_ =	shalt  }
0x55: {  	_ =	shalt  }
0x56: {  	_ =	shalt  }
0x57: {  	_ =	shalt  }
0x58: {  	_ =	shalt  }
0x59: {  	_ =	shalt  }
0x5a: {  	_ =	shalt  }
0x5b: {  	_ =	shalt  }
0x5c: {  	_ =	shalt  }
0x5d: {  	_ =	shalt  }
0x5e: {  	_ =	shalt  }
0x5f: {  	_ =	shalt  }
0x60: {  	_ =	shalt  }
0x61: {  	_ =	shalt  }
0x62: {  	_ =	shalt  }
0x63: {  	_ =	shalt  }
0x64: {  	_ =	shalt  }
0x65: {  	_ =	shalt  }
0x66: {  	_ =	shalt  }
0x67: {  	_ =	shalt  }
0x68: {  	_ =	shalt  }
0x69: {  	_ =	shalt  }
0x6a: {  	_ =	shalt  }
0x6b: {  	_ =	shalt  }
0x6c: {  	_ =	shalt  }
0x6d: {  	_ =	shalt  }
0x6e: {  	_ =	shalt  }
0x6f: {  	_ =	shalt  }
0x70: {  	_ =	shalt  }
0x71: {  	_ =	shalt  }
0x72: {  	_ =	shalt  }
0x73: {  	_ =	shalt  }
0x74: {  	_ =	shalt  }
0x75: {  	_ =	shalt  }
0x76: {  	_ =	shalt  }
0x77: {  	_ =	shalt  }
0x78: {  	_ =	shalt  }
0x79: {  	_ =	shalt  }
0x7a: {  	_ =	shalt  }
0x7b: {  	_ =	shalt  }
0x7c: {  	_ =	shalt  }
0x7d: {  	_ =	shalt  }
0x7e: {  	_ =	shalt  }
0x7f: {  	_ =	shalt  }
0x80: {  	_ =	shalt  }
0x81: {  	_ =	shalt  }
0x82: {  	_ =	shalt  }
0x83: {  	_ =	shalt  }
0x84: {  	_ =	shalt  }
0x85: {  	_ =	shalt  }
0x86: {  	_ =	shalt  }
0x87: {  	_ =	shalt  }
.Lfunc_end0:
.L_simem_size_0:
called_computation_lowered:
.L_overlay_start_0:
0x88: {  	s2 =	sld [smem:$0x3FD9]  }
0x89: {  	s3 =	sld [smem:$0x3FFE];
	_ =	sdelay $0x1  }
0x8a: {  	s1 =	srdreg.scid  }
0x8b: {  	s0 =	sand.u32 $0x1, s1  }
0x8c: {  	s17 =	sshll.u32 s0, $0xA;
	s2 =	sadd.s32 s3, s2  }
0x8d: {  	s2 =	sadd.s32 s2, s17  }
0x8e: {  	[smem:$0x3FC5] =	sst s2  }
0x8f: {  	_ = 	snop  }
0x90: {  	s2 =	sld [smem:$0x3FC9];
	(tm) =	ssettm $0x1  }
0x91: {  	s18 =	sld [smem:$0x3FFB];
	_ =	sdelay $0x3  }
0x92: {  	_ =	strace s18  }
0x93: {  	s3 =	sld [smem:$0x3FFC];
	_ =	sdelay $0x3  }
0x94: {  	_ =	strace s3  }
0x95: {  	s3 =	sld [smem:$0x3FFD];
	_ =	sdelay $0x3  }
0x96: {  	_ =	strace s3  }
0x97: {  	_ =	strace $0x8FFFFFFF  }
0x98: {  	s19 =	sld [smem:$0x3FDB];
	_ =	sdelay $0x1  }
0x99: {  	s4 =	simm.s32 $_scs_section_size  }
0x9a: {  	s5 =	simm.s32 $_size__tile_overlayer_lowered;
	s6 =	simm.s32 $_tile_overlayer_lowered  }
0x9b: {  	s22 =	simm.s32 $0x1BFF;
	s21 =	sshll.u32 s6, $0x1;
	s3 =	sadd.s32 s4, s19  }
0x9c: {  	s7 =	simm.s32 $0x0;
	s20 =	sshll.u32 s5, $0x1;
	s5 =	sadd.s32 s21, s3  }
0x9d: {  	[timem:s7], [sflag:s22] =	dma.local [hbm:s5], s20  }
0x9e: {  	_ =	swait.ge [sflag:s22], s20  }
0x9f: {  	s4 =	ssub.s32 $0x0, s20;
	[sflag:s22] =	ssyncset.done $0x0  }
0xa0: {  	[sflag:s22] =	ssyncadd.s32 s4;
	_ =	sdelay $0x1  }
0xa1: {  	s23 =	simm.s32 $0x1B8B  }
0xa2: {  	_ =	swait.ge [sflag:s23], $0x1  }
0xa3: {  	[sflag:s23] =	ssyncset.done $0x0  }
0xa4: {  	s25 =	simm.s32 $0x1B8E;
	s24 =	sld [smem:$0x3FFE];
	[sflag:s23] =	ssyncadd.s32 $0xFFFFFFFF  }
0xa5: {  	s26 =	simm.s32 $execute0_lowered;
	[smem:$0x3FD2] =	sst s25  }
0xa6: {  	s5 =	sshll.u32 s26, $0x1;
	_ =	strace $0x80000046;
	[dreg:$0x1] =	wrdreg $0xFFFFFFFF  }
0xa7: {  	s28 =	simm.s32 $_size_execute0_lowered;
	s3 =	sadd.s32 s3, s5;
	[dreg:$0x0] =	wrdreg $0x0  }
0xa8: {  	s5 =	sshll.u32 s28, $0x1;
	[dreg:$0x2] =	wrdreg s3  }
0xa9: {  	[dreg:$0x3] =	wrdreg s5  }
0xaa: {  	[dreg:$0x4] =	wrdreg $0xC0  }
0xab: {  	_ =	task [dreg:s7], $0x5FFFF  }
0xac: {  	[dreg:$0x1] =	wrdreg $0xFFFFFFFF  }
0xad: {  	[dreg:$0x0] =	wrdreg $0x60  }
0xae: {  	[dreg:$0x2] =	wrdreg s2  }
0xaf: {  	[dreg:$0x3] =	wrdreg s24  }
0xb0: {  	[dreg:$0x4] =	wrdreg $0x9  }
0xb1: {  	_ =	task.clear_ibuf [dreg:s7], $0x5FFFF;
	_ =	strace $0x90000046  }
0xb2: {  	s29 =	simm.s32 $0x9;
	_ =	strace $0x80000048  }
0xb3: {  	_ =	swait.ge [sflag:s29], $0x1  }
0xb4: {  	[sflag:s29] =	ssyncadd.s32 $0xFFFFFFFF  }
0xb5: {  	_ =	strace $0x90000048  }
0xb6: {  	_ =	sfence  }
0xb7: {  	s30 =	sld [smem:$0x0];
	_ =	sdelay $0x2  }
0xb8: {  	s31 =	sshll.u32 s1, $0xD;
	s1 =	sshrl.u32 s1, $0x2  }
0xb9: {  	s3 =	sand.u32 $0x4000, s31;
	s1 =	sadd.s32 s1, s30  }
0xba: {  	s0 =	sor.u32 s3, s0;
	s1 =	sshll.u32 s1, $0x11  }
0xbb: {  	s0 =	sor.u32 s1, s0  }
0xbc: {  	s0 =	sadd.s32 $0x8F2B, s0  }
0xbd: {  	[sflag:s0] =	ssyncadd.remote.s32 $0x1  }
0xbe: {  	_ =	sfence.sel $0xFFFF  }
0xbf: {  	[dreg:$0x0] =	wrdreg $0xFFFFFFFF;
	(pc) =	sbr.abs _section_cstart, $3  }
0xc0: {  	[dreg:$0x1] =	wrdreg $0xFFFFFFFF  }
0xc1: {  	_ =	task.clear_ibuf [dreg:s7], $0x2FFFF;
	_ =	strace $0x9FFFFFFF  }
0xc2: {  	(tm) =	ssettm $0x7FFFFFFF  }
0xc3: {  	_ =	shalt  }
tec
execute0_lowered:
.L_overlay_start_1:
0x0: {  	(tag) =	ssettag $0x1  }
0x1: {  	s2 =	rddreg [dreg:$0x0]  }
0x2: {  	s1 =	srdreg.scid;
	s0 =	stileid.u32  }
0x3: {  	s4 =	rddreg [dreg:$0x1];
	s3 =	simm.s32 $0x0;
	s9 =	simm.s32 $0x10000  }
0x4: {  	s5 =	sand.u32 $0x1, s1;
	s6 =	sshll.u32 s0, $0x1;
	s1 =	rddreg [dreg:$0x2]  }
0x5: {  	s10 =	simm.s32 $0x0;
	[smem:$0x7FF] =	sst s3;
	s8 =	sor.u32 s5, s6  }
0x6: {  	s5 =	ssub.s32 $0x2, s5;
	_ =	strace $0x80000047;
	s6 =	sshll.u32 s8, $0xD  }
0x7: {  	s31 =	sshrl.u32 s5, $0x1;
	p0 =	sne.s32 s8, $0x0;
	s6 =	sadd.s32 s6, s4  }
0x8: {  	s8 =	simm.s32 $0x1;
	s7 =	ssub.s32 s5, s31;
	s4 =	sadd.s32 $0x600, s6  }
0x9: {  	s5 =	sadd.s32 $0x40600, s6;
	s6 =	sadd.s32 $0x80600, s6;
	s7 =	smax.u32 s7, $0x1  }
.LBB2_1:
0xa: {  	[tilespmem:s3], [sflag:$0x1] =	stream.linear.gather [hbm4b:s4+s3], $0x10000, $0x38;
	v63 =	vld [tilespmem:$0x0]  }
0xb: {  	_ =	swait.ge [sflag:s8], $0x10000  }
0xc: {  	[sflag:s8] =	ssyncset.done $0x0  }
0xd: {  	[sflag:s8] =	ssyncadd.s32 $0xFFFF0000  }
0xe: {  	[tilespmem:s9], [sflag:$0x1] =	stream.linear.gather [hbm4b:s5+s3], $0x10000, $0x38;
	v63 =	vld [tilespmem:$0x0]  }
0xf: {  	_ =	swait.ge [sflag:s8], $0x10000  }
0x10: {  	[sflag:s8] =	ssyncset.done $0x0  }
0x11: {  	s11 =	simm.s32 @!p0 $0x0;
	[sflag:s8] =	ssyncadd.s32 $0xFFFF0000  }
0x12: {  	[tilespmem:s11], [sflag:$0x1] =	stream.linear.gather @!p0 [hbm4b:s2+s11], $0x80, $0x38;
	v63 =	vld [tilespmem:$0x0]  }
0x13: {  	s11 =	simm.s32 @!p0 $0x1  }
0x14: {  	_ =	swait.ge @!p0 [sflag:s11], $0x80  }
0x15: {  	[sflag:s11] =	ssyncset.done @!p0 $0x0  }
0x16: {  	[sflag:s11] =	ssyncadd.s32 @!p0 $0xFFFFFF80;
	s11 =	simm.s32 $0x100  }
0x17: {  	s12 =	simm.s32 $0x10100;
	v0 =	vld [tilespmem:s11+$0xFFFFFF00]  }
0x18: {  	v1 =	vld [tilespmem:s12+$0xFFFFFF00];
	_ =	sdelay $0x4  }
0x19: {  	v0 =	vsub.f32 v0, v1;
	_ =	sdelay $0x1  }
0x1a: {  	[tilespmem:s11+$0xFFFFFF00] =	vst v0  }
0x1b: {  	v0 =	vld [tilespmem:s12+$0xFFFFFF0D]  }
0x1c: {  	v1 =	vld [tilespmem:s11+$0xFFFFFF0D];
	_ =	sdelay $0x4  }
0x1d: {  	v0 =	vsub.f32 v1, v0;
	_ =	sdelay $0x1  }
0x1e: {  	[tilespmem:s11+$0xFFFFFF0D] =	vst v0;
	v0 =	vld [tilespmem:s11+$0xFFFFFF80]  }
0x1f: {  	v1 =	vld [tilespmem:s12+$0xFFFFFF80];
	_ =	sdelay $0x4  }
0x20: {  	v0 =	vsub.f32 v0, v1;
	_ =	sdelay $0x1  }
0x21: {  	[tilespmem:s11+$0xFFFFFF80] =	vst v0  }
0x22: {  	v0 =	vld [tilespmem:s11+$0xFFFFFF8D]  }
0x23: {  	v1 =	vld [tilespmem:s12+$0xFFFFFF8D];
	_ =	sdelay $0x4  }
0x24: {  	v0 =	vsub.f32 v0, v1;
	_ =	sdelay $0x1  }
0x25: {  	v1 =	vld [tilespmem:s11+$0x0];
	[tilespmem:s11+$0xFFFFFF8D] =	vst v0  }
0x26: {  	v0 =	vld [tilespmem:s12+$0x0];
	_ =	sdelay $0x4  }
0x27: {  	v0 =	vsub.f32 v1, v0;
	_ =	sdelay $0x1  }
0x28: {  	[tilespmem:s11+$0x0] =	vst v0  }
0x29: {  	v0 =	vld [tilespmem:s11+$0xD]  }
0x2a: {  	v1 =	vld [tilespmem:s12+$0xD];
	_ =	sdelay $0x4  }
0x2b: {  	v0 =	vsub.f32 v0, v1;
	_ =	sdelay $0x1  }
0x2c: {  	v1 =	vld [tilespmem:s11+$0x80];
	[tilespmem:s11+$0xD] =	vst v0  }
0x2d: {  	v0 =	vld [tilespmem:s12+$0x80];
	_ =	sdelay $0x4  }
0x2e: {  	v0 =	vsub.f32 v1, v0;
	_ =	sdelay $0x1  }
0x2f: {  	[tilespmem:s11+$0x80] =	vst v0  }
0x30: {  	v0 =	vld [tilespmem:s11+$0x8D]  }
0x31: {  	s13 =	simm.s32 $0x0;
	s14 =	simm.s32 $0x100;
	v1 =	vld [tilespmem:s12+$0x8D]  }
.LBB2_2:
0x32: {  	_ =	sdelay $0x1  }
0x33: {  	s13 =	sadd.s32 $0x4, s13;
	s11 =	sadd.s32 $0x200, s11;
	s12 =	sadd.s32 $0x200, s12  }
0x34: {  	p1 =	slt.u32 s13, $0x1FC  }
0x35: {  	v0 =	vsub.f32 v0, v1;
	_ =	sdelay $0x1  }
0x36: {  	v1 =	vld [tilespmem:s11+$0xFFFFFF00];
	[tilespmem:s14+$0x8D] =	vst v0;
	s14 =	smov.u32 s11  }
0x37: {  	v0 =	vld [tilespmem:s12+$0xFFFFFF00];
	_ =	sdelay $0x4  }
0x38: {  	v0 =	vsub.f32 v1, v0;
	_ =	sdelay $0x1  }
0x39: {  	[tilespmem:s11+$0xFFFFFF00] =	vst v0  }
0x3a: {  	v0 =	vld [tilespmem:s12+$0xFFFFFF0D]  }
0x3b: {  	v1 =	vld [tilespmem:s11+$0xFFFFFF0D];
	_ =	sdelay $0x4  }
0x3c: {  	v0 =	vsub.f32 v1, v0;
	_ =	sdelay $0x1  }
0x3d: {  	[tilespmem:s11+$0xFFFFFF0D] =	vst v0;
	v0 =	vld [tilespmem:s11+$0xFFFFFF80]  }
0x3e: {  	v1 =	vld [tilespmem:s12+$0xFFFFFF80];
	_ =	sdelay $0x4  }
0x3f: {  	v0 =	vsub.f32 v0, v1;
	_ =	sdelay $0x1  }
0x40: {  	[tilespmem:s11+$0xFFFFFF80] =	vst v0  }
0x41: {  	v0 =	vld [tilespmem:s11+$0xFFFFFF8D]  }
0x42: {  	v1 =	vld [tilespmem:s12+$0xFFFFFF8D];
	_ =	sdelay $0x4  }
0x43: {  	v0 =	vsub.f32 v0, v1  }
0x44: {  	v1 =	vld [tilespmem:s11+$0x0]  }
0x45: {  	[tilespmem:s11+$0xFFFFFF8D] =	vst v0  }
0x46: {  	v0 =	vld [tilespmem:s12+$0x0];
	_ =	sdelay $0x4  }
0x47: {  	v0 =	vsub.f32 v1, v0;
	_ =	sdelay $0x1  }
0x48: {  	[tilespmem:s11+$0x0] =	vst v0  }
0x49: {  	v0 =	vld [tilespmem:s11+$0xD]  }
0x4a: {  	v1 =	vld [tilespmem:s12+$0xD];
	_ =	sdelay $0x4  }
0x4b: {  	v0 =	vsub.f32 v0, v1;
	v1 =	vld [tilespmem:s11+$0x80];
	_ =	sdelay $0x1  }
0x4c: {  	[tilespmem:s11+$0xD] =	vst v0  }
0x4d: {  	v0 =	vld [tilespmem:s12+$0x80];
	_ =	sdelay $0x4  }
.Ltmp0:
0x4e: {  	v0 =	vsub.f32 v1, v0;
	(pc) =	sbr.rel @p1 .LBB2_2-.Ltmp0, $4  }
0x4f: {  	_ = 	snop  }
0x50: {  	[tilespmem:s11+$0x80] =	vst v0  }
0x51: {  	v0 =	vld [tilespmem:s11+$0x8D]  }
0x52: {  	v1 =	vld [tilespmem:s12+$0x8D]  }
0x53: {  	_ =	sdelay $0x3  }
0x54: {  	s10 =	sadd.s32 $0x1, s10;
	v0 =	vsub.f32 v0, v1  }
0x55: {  	p1 =	sne.s32 s10, s7  }
.Ltmp1:
0x56: {  	[tilespmem:s14+$0x8D] =	vst v0;
	(pc) =	sbr.rel @p1 .LBB2_1-.Ltmp1, $4  }
0x57: {  	[hbm4b:s6+s3] =	stream.linear.scatter [tilespmem:s3], [sflag:$0x1], $0x10000, $0x38;
	v63 =	vld [tilespmem:$0x0]  }
0x58: {  	_ =	swait.ge [sflag:s8], $0x10000  }
0x59: {  	[sflag:s8] =	ssyncset.done $0x0  }
0x5a: {  	[sflag:s8] =	ssyncadd.s32 $0xFFFF0000  }
0x5b: {  	_ =	sfence.sel $0x180000  }
0x5c: {  	[bflag:$0x0] =	sbarrier.arrive $0xFFFF  }
0x5d: {  	p0 =	sne.s32 s0, $0x0;
	_ =	strace $0x90000047  }
0x5e: {  	s0 =	sadd.s32 @!p0 $0x100000, s1;
	[bflag:$0x2] =	sbarrier.arrive $0xFFFF  }
0x5f: {  	[sflag:s0] =	ssyncadd.tile.s32 @!p0 $0x1;
	_ =	shalt  }
.Lfunc_end2:
_tile_overlayer_lowered:
.L_overlay_start_2:
0x60: {  	(tag) =	ssettag $0x2  }
0x61: {  	s0 =	rddreg [dreg:$0x0];
	s2 =	stileid.u32  }
0x62: {  	s1 =	rddreg [dreg:$0x1];
	p0 =	sne.s32 s2, $0x0  }
0x63: {  	s3 =	rddreg [dreg:$0x2];
	[bflag:$0x3] =	sbarrier.arrive $0xFFFF;
	s2 =	simm.s32 @!p0 $0x1C01  }
0x64: {  	[timem:s3], [sflag:s2] =	dma.local @!p0 [hbm:s0], s1  }
0x65: {  	s0 =	simm.s32 @!p0 $0x1  }
0x66: {  	_ =	swait.ge @!p0 [sflag:s0], s1  }
0x67: {  	s1 =	ssub.s32 @!p0 $0x0, s1;
	[sflag:s0] =	ssyncset.done @!p0 $0x0  }
0x68: {  	[sflag:s0] =	ssyncadd.s32 @!p0 s1  }
0x69: {  	[bflag:$0x3] =	sbarrier.arrive $0xFFFF  }
0x6a: {  	_ =	shalt  }

</sc_bundles>
